<compile_context>
chip_gen: v7x
topology: tpu7x:2x2x1
jax: 0.10.2.dev20260603
libtpu: 0.0.44.dev20260713+nightly
codegen_flags: <defaults>
</compile_context>

<pallas_src>
import jax
import jax.numpy as jnp
from jax import lax
from jax.experimental import pallas as pl
from jax.experimental.pallas import tpu as pltpu

_B = 64
_P = 100000
_N = 3 * _P
_BLK = 6144
_GRID = -(-_N // _BLK)


def _fill_kernel(s0_ref, out_ref, pat_ref):
    @pl.when(pl.program_id(0) == 0)
    def _():
        r = lax.broadcasted_iota(jnp.int32, (_B, _BLK), 1) % 3
        pat_ref[...] = jnp.where(
            r == 0,
            s0_ref[0],
            jnp.where(r == 1, s0_ref[1], s0_ref[2]),
        )

    out_ref[...] = pat_ref[...]


def kernel(inputs, state_vector):
    del inputs
    key = jax.random.key(42)
    k_noise, _ = jax.random.split(key)
    nrows = state_vector.shape[0] * state_vector.shape[1]
    noise0 = jax.random.normal(k_noise, (nrows,), dtype=state_vector.dtype)[:3] * 0.1
    s0 = state_vector[0] + noise0

    out = pl.pallas_call(
        _fill_kernel,
        grid=(_GRID,),
        in_specs=[pl.BlockSpec(memory_space=pltpu.SMEM)],
        out_specs=pl.BlockSpec((_B, _BLK), lambda i: (0, i)),
        out_shape=jax.ShapeDtypeStruct((_B, _N), jnp.float32),
        scratch_shapes=[pltpu.VMEM((_B, _BLK), jnp.float32)],
    )(s0)
    return out.reshape(_B, _P, 3)

# --- scband reference (transcript-rebuilt; emitter-appended) ---
"""Pipeline reference for scband-multicore-bpflayer-65455301591386 (READ-ONLY COPY).

The authoritative reference and input builder live on the scoring server;
editing this copy changes nothing except your own understanding.
"""

import jax, jax.numpy as jnp
import numpy as np

NUM_PARTICLES = 100000
BATCH = 64
VOCAB = 100000


def setup_inputs(seed: int = 0) -> dict:
    key = jax.random.key(seed)
    k1, k2 = jax.random.split(key)
    inputs = jax.random.uniform(k1, (BATCH, VOCAB), dtype=jnp.float32)
    # non-trainable learned state_vector weight, shape (num_particles, 3), random_normal init
    state_vector = jax.random.normal(k2, (NUM_PARTICLES, 3), dtype=jnp.float32) * 0.05
    return {"inputs": inputs, "state_vector": state_vector}


def reference(inputs, state_vector):
    # Faithful JAX translation of MulticoreBPFLayer.call
    key = jax.random.key(42)
    k_noise, k_cat = jax.random.split(key)
    # transition noise added to the particle state (assign_add in TF)
    noise = jax.random.normal(k_noise, state_vector.shape, dtype=state_vector.dtype) * 0.1
    state = state_vector + noise
    # particle weights: reduce_sum over last axis, keepdims -> [B, 1]
    particle_weights = jnp.sum(inputs, axis=-1, keepdims=True)
    logits = jnp.log(particle_weights)  # [B, 1]
    B, C = logits.shape
    # tf.random.categorical(logits, num_samples) via Gumbel-max trick -> [B, num_particles]
    g = jax.random.gumbel(k_cat, (B, NUM_PARTICLES, C), dtype=logits.dtype)
    resampled_indices = jnp.argmax(logits[:, None, :] + g, axis=-1)  # [B, P]
    # tf.gather(state_vector, indices) along axis 0 -> [B, P, 3]
    resampled_state_vector = jnp.take(state, resampled_indices, axis=0)
    return resampled_state_vector

if __name__ == "__main__":
    import jax
    _d = setup_inputs()
    print(jax.jit(kernel)(*tuple(_d.values())))

</pallas_src>

<mosaic_0001>
module attributes {stable_mosaic.version = 14 : i64} {
  func.func @_fill_kernel(%arg0: i32, %arg1: memref<3xf32, #tpu.memory_space<smem>>, %arg2: memref<64x6144xf32, #tpu.memory_space<vmem>>, %arg3: memref<64x6144xf32, #tpu.memory_space<vmem>>) attributes {dimension_semantics = [#tpu.dimension_semantics<arbitrary>], iteration_bounds = array<i64: 49>, scalar_prefetch = 0 : i64, scratch_operands = 1 : i64, tpu.core_type = #tpu.core_type<tc>, window_params = [{transform_indices = @transform_0, window_bounds = array<i64: 3>}, {transform_indices = @transform_1, window_bounds = array<i64: 64, 6144>}]} {
    %eq3A = arith.constant 0 : i32
    %eq3A_0 = arith.cmpi eq, %arg0, %eq3A : i32
    %convert_element_type3A = arith.extui %eq3A_0 : i1 to i32
    %cond3A = arith.constant 0 : i32
    %cond3A_1 = arith.cmpi ne, %convert_element_type3A, %cond3A : i32
    scf.if %cond3A_1 {
      %iota3A = tpu.iota {dimensions = array<i32: 1>} : vector<64x6144xi32>
      %jit3A = arith.constant 3 : i32
      %eq3A_6 = arith.constant 0 : i32
      %eq3A_7 = arith.cmpi eq, %jit3A, %eq3A_6 : i32
      %jit3A_8 = arith.constant 1 : i32
      %select_n3A = arith.select %eq3A_7, %jit3A_8, %jit3A : i32
      %rem3A = vector.broadcast %select_n3A : i32 to vector<64x6144xi32>
      %rem3A_9 = arith.remsi %iota3A, %rem3A : vector<64x6144xi32>
      %ne3A = arith.constant 0 : i32
      %ne3A_10 = vector.broadcast %ne3A : i32 to vector<64x6144xi32>
      %ne3A_11 = arith.cmpi ne, %rem3A_9, %ne3A_10 : vector<64x6144xi32>
      %lt3A = arith.constant 0 : i32
      %lt3A_12 = vector.broadcast %lt3A : i32 to vector<64x6144xi32>
      %lt3A_13 = arith.cmpi slt, %rem3A_9, %lt3A_12 : vector<64x6144xi32>
      %lt3A_14 = arith.constant 0 : i32
      %lt3A_15 = arith.cmpi slt, %select_n3A, %lt3A_14 : i32
      %ne3A_16 = vector.broadcast %lt3A_15 : i1 to vector<64x6144xi1>
      %ne3A_17 = vector.broadcast %ne3A_16 : vector<64x6144xi1> to vector<64x6144xi1>
      %ne3A_18 = arith.xori %lt3A_13, %ne3A_17 : vector<64x6144xi1>
      %and3A = arith.andi %ne3A_18, %ne3A_11 : vector<64x6144xi1>
      %add3A = vector.broadcast %select_n3A : i32 to vector<64x6144xi32>
      %add3A_19 = arith.addi %rem3A_9, %add3A : vector<64x6144xi32>
      %select_n3A_20 = arith.select %and3A, %add3A_19, %rem3A_9 : vector<64x6144xi1>, vector<64x6144xi32>
      %eq3A_21 = arith.constant 0 : i32
      %eq3A_22 = vector.broadcast %eq3A_21 : i32 to vector<64x6144xi32>
      %eq3A_23 = arith.cmpi eq, %select_n3A_20, %eq3A_22 : vector<64x6144xi32>
      %get3A_24 = arith.constant 0 : index
      %get3A_25 = memref.load %arg1[%get3A_24] : memref<3xf32, #tpu.memory_space<smem>>
      %eq3A_26 = arith.constant 1 : i32
      %eq3A_27 = vector.broadcast %eq3A_26 : i32 to vector<64x6144xi32>
      %eq3A_28 = arith.cmpi eq, %select_n3A_20, %eq3A_27 : vector<64x6144xi32>
      %get3A_29 = arith.constant 1 : index
      %get3A_30 = memref.load %arg1[%get3A_29] : memref<3xf32, #tpu.memory_space<smem>>
      %get3A_31 = arith.constant 2 : index
      %get3A_32 = memref.load %arg1[%get3A_31] : memref<3xf32, #tpu.memory_space<smem>>
      %broadcast_in_dim3A = vector.broadcast %get3A_30 : f32 to vector<64x6144xf32>
      %broadcast_in_dim3A_33 = vector.broadcast %get3A_32 : f32 to vector<64x6144xf32>
      %select_n3A_34 = arith.select %eq3A_28, %broadcast_in_dim3A, %broadcast_in_dim3A_33 : vector<64x6144xi1>, vector<64x6144xf32>
      %broadcast_in_dim3A_35 = vector.broadcast %get3A_25 : f32 to vector<64x6144xf32>
      %select_n3A_36 = arith.select %eq3A_23, %broadcast_in_dim3A_35, %select_n3A_34 : vector<64x6144xi1>, vector<64x6144xf32>
      %swap3A_37 = arith.constant 0 : index
      %swap3A_38 = arith.constant 0 : index
      %swap3A_39 = vector.load %arg3[%swap3A_37, %swap3A_38] : memref<64x6144xf32, #tpu.memory_space<vmem>>, vector<64x6144xf32>
      tpu.vector_store %arg3[%swap3A_37, %swap3A_38], %select_n3A_36 {strides = array<i32>} : memref<64x6144xf32, #tpu.memory_space<vmem>>, vector<64x6144xf32>,
    } else {
    }
    %get3A = arith.constant 0 : index
    %get3A_2 = arith.constant 0 : index
    %get3A_3 = vector.load %arg3[%get3A, %get3A_2] : memref<64x6144xf32, #tpu.memory_space<vmem>>, vector<64x6144xf32>
    %swap3A = arith.constant 0 : index
    %swap3A_4 = arith.constant 0 : index
    %swap3A_5 = vector.load %arg2[%swap3A, %swap3A_4] : memref<64x6144xf32, #tpu.memory_space<vmem>>, vector<64x6144xf32>
    tpu.vector_store %arg2[%swap3A, %swap3A_4], %get3A_3 {strides = array<i32>} : memref<64x6144xf32, #tpu.memory_space<vmem>>, vector<64x6144xf32>,
    return
  }
  func.func @transform_0(%arg0: i32) -> i32 {
    %c0_i32 = arith.constant 0 : i32
    %c0_i32_0 = arith.constant 0 : i32
    return %c0_i32 : i32
  }
  func.func @transform_1(%arg0: i32) -> (i32, i32) {
    %c0_i32 = arith.constant 0 : i32
    %c0_i32_0 = arith.constant 0 : i32
    return %c0_i32, %arg0 : i32, i32
  }
}

</mosaic_0001>

<sc_bundles>
// kernel: sparse-core-data-format-call.cloned.1.call-start
scs
called_computation_lowered:
.L_overlay_start_0:
0x0: {  	s2 =	sld [smem:$0x3FD9]  }
0x1: {  	s3 =	sld [smem:$0x3FFE];
	_ =	sdelay $0x1  }
0x2: {  	s1 =	srdreg.scid  }
0x3: {  	s0 =	sand.u32 $0x1, s1  }
0x4: {  	s18 =	sshll.u32 s0, $0xA;
	s2 =	sadd.s32 s3, s2  }
0x5: {  	s2 =	sadd.s32 s2, s18  }
0x6: {  	[smem:$0x3FC7] =	sst s2  }
0x7: {  	_ = 	snop  }
0x8: {  	s2 =	sld [smem:$0x3FD0];
	(tm) =	ssettm $0x1  }
0x9: {  	s19 =	sld [smem:$0x3FFB];
	_ =	sdelay $0x3  }
0xa: {  	_ =	strace s19  }
0xb: {  	s3 =	sld [smem:$0x3FFC];
	_ =	sdelay $0x3  }
0xc: {  	_ =	strace s3  }
0xd: {  	s3 =	sld [smem:$0x3FFD];
	_ =	sdelay $0x3  }
0xe: {  	_ =	strace s3  }
0xf: {  	_ =	strace $0x8FFFFFFF  }
0x10: {  	s20 =	sld [smem:$0x3FDB];
	_ =	sdelay $0x1  }
0x11: {  	s4 =	simm.s32 $_scs_section_size  }
0x12: {  	s5 =	simm.s32 $_size__tile_overlayer_lowered;
	s6 =	simm.s32 $_tile_overlayer_lowered  }
0x13: {  	s23 =	simm.s32 $0x1BFF;
	s22 =	sshll.u32 s6, $0x1;
	s3 =	sadd.s32 s4, s20  }
0x14: {  	s7 =	simm.s32 $0x0;
	s21 =	sshll.u32 s5, $0x1;
	s5 =	sadd.s32 s22, s3  }
0x15: {  	[timem:s7], [sflag:s23] =	dma.local [hbm:s5], s21  }
0x16: {  	_ =	swait.ge [sflag:s23], s21  }
0x17: {  	s4 =	ssub.s32 $0x0, s21;
	[sflag:s23] =	ssyncset.done $0x0  }
0x18: {  	[sflag:s23] =	ssyncadd.s32 s4;
	_ =	sdelay $0x1  }
0x19: {  	s24 =	simm.s32 $0x1B8B  }
0x1a: {  	_ =	swait.ge [sflag:s24], $0x1  }
0x1b: {  	[sflag:s24] =	ssyncset.done $0x0  }
0x1c: {  	s26 =	simm.s32 $0x1B8E;
	s25 =	sld [smem:$0x3FFE];
	[sflag:s24] =	ssyncadd.s32 $0xFFFFFFFF  }
0x1d: {  	s27 =	simm.s32 $execute0_lowered;
	[smem:$0x3FD2] =	sst s26  }
0x1e: {  	s5 =	sshll.u32 s27, $0x1;
	_ =	strace $0x80000046;
	[dreg:$0x1] =	wrdreg $0xFFFFFFFF  }
0x1f: {  	s28 =	simm.s32 $_size_execute0_lowered;
	s3 =	sadd.s32 s3, s5;
	[dreg:$0x0] =	wrdreg $0x0  }
0x20: {  	s5 =	sshll.u32 s28, $0x1;
	[dreg:$0x2] =	wrdreg s3  }
0x21: {  	[dreg:$0x3] =	wrdreg s5  }
0x22: {  	[dreg:$0x4] =	wrdreg $0xC0  }
0x23: {  	_ =	task [dreg:s7], $0x5FFFF  }
0x24: {  	[dreg:$0x1] =	wrdreg $0xFFFFFFFF  }
0x25: {  	[dreg:$0x0] =	wrdreg $0x60  }
0x26: {  	[dreg:$0x2] =	wrdreg s25  }
0x27: {  	[dreg:$0x3] =	wrdreg s2  }
0x28: {  	[dreg:$0x4] =	wrdreg $0x9  }
0x29: {  	_ =	task.clear_ibuf [dreg:s7], $0x5FFFF;
	_ =	strace $0x90000046  }
0x2a: {  	s29 =	simm.s32 $0x9;
	_ =	strace $0x80000048  }
0x2b: {  	_ =	swait.ge [sflag:s29], $0x1  }
0x2c: {  	[sflag:s29] =	ssyncadd.s32 $0xFFFFFFFF  }
0x2d: {  	_ =	strace $0x90000048  }
0x2e: {  	_ =	sfence  }
0x2f: {  	s30 =	sld [smem:$0x0];
	_ =	sdelay $0x2  }
0x30: {  	s31 =	sshll.u32 s1, $0xD;
	s1 =	sshrl.u32 s1, $0x2  }
0x31: {  	s3 =	sand.u32 $0x4000, s31;
	s1 =	sadd.s32 s1, s30  }
0x32: {  	s0 =	sor.u32 s3, s0;
	s1 =	sshll.u32 s1, $0x11  }
0x33: {  	s0 =	sor.u32 s1, s0  }
0x34: {  	s0 =	sadd.s32 $0x8F2B, s0  }
0x35: {  	[sflag:s0] =	ssyncadd.remote.s32 $0x1  }
0x36: {  	_ =	sfence.sel $0xFFFF  }
0x37: {  	[dreg:$0x0] =	wrdreg $0xFFFFFFFF;
	(pc) =	sbr.abs _section_cstart, $3  }
0x38: {  	[dreg:$0x1] =	wrdreg $0xFFFFFFFF  }
0x39: {  	_ =	task.clear_ibuf [dreg:s7], $0x2FFFF;
	_ =	strace $0x9FFFFFFF  }
0x3a: {  	(tm) =	ssettm $0x7FFFFFFF  }
0x3b: {  	_ =	shalt  }
tec
execute0_lowered:
.L_overlay_start_1:
0x0: {  	(tag) =	ssettag $0x1  }
0x1: {  	s0 =	srdreg.scid;
	s5 =	rddreg [dreg:$0x0]  }
0x2: {  	s3 =	rddreg [dreg:$0x1];
	s1 =	sshll.u32 s0, $0x4  }
0x3: {  	s31 =	simm.s32 $0x2;
	s0 =	stileid.u32;
	s1 =	sand.u32 $0x10, s1  }
0x4: {  	s12 =	simm.s32 $0x0;
	p0 =	por $0x0, $0x0;
	s1 =	sor.u32 s0, s1  }
0x5: {  	s8 =	simm.s32 $0xC3800;
	s13 =	simm.s32 $0x0;
	s2 =	sshll.u32 s1, $0x7  }
.Ltmp0:
0x6: {  	s9 =	simm.s32 $0x0;
	s4 =	ssub.s32 $0x18680, s2;
	(pc) =	sbr.rel .LBB1_1-.Ltmp0, $4  }
0x7: {  	s11 =	simm.s32 $0x0;
	s1 =	rddreg [dreg:$0x2];
	s6 =	sshrl.u32 s4, $0xC  }
0x8: {  	_ =	strace $0x80000047;
	s4 =	simm.s32 $0x1;
	s7 =	smul.u32 $0x3, s6  }
0x9: {  	s5 =	sadd.s32 $0x494200, s5;
	s10 =	smov.u32 s2;
	[sflag:s4] =	ssyncpa.u1 $0x0  }
0xa: {  	[sflag:s31] =	ssyncpa.u1 $0x0;
	s6 =	sadd.s32 $0x3, s7;
	s7 =	sadd.s32 $0x4, s7  }
.LBB1_5:
0xb: {  	s14 =	sadd.s32 $0x1, s9  }
0xc: {  	s12 =	sadd.s32 $0x1000, s10;
	s16 =	smov.u32 s10;
	p2 =	sgt.s32 s14, $0x2  }
0xd: {  	s16 =	smov.u32 @p2 s12  }
0xe: {  	s14 =	simm.s32 @p2 $0x0;
	p2 =	sgt.s32 s16, $0x1869F  }
0xf: {  	s16 =	smov.u32 @p2 s2;
	p2 =	sne.s32 s11, s7  }
.Ltmp1:
0x10: {  	p1 =	slt.u32 s11, $0x2;
	(pc) =	sbr.rel @!p2 .LBB1_6-.Ltmp1, $4  }
0x11: {  	s15 =	simm.s32 @!p1 $0x2  }
0x12: {  	s13 =	smov.u32 s10;
	p0 =	por !p0, !p0;
	_ =	swait.ge @!p1 [sflag:s15], $0x2000  }
0x13: {  	s12 =	smov.u32 s9;
	[sflag:s15] =	ssyncset.done @!p1 $0x0;
	s9 =	smov.u32 s14  }
0x14: {  	s11 =	sadd.s32 $0x1, s11;
	[sflag:s15] =	ssyncadd.s32 @!p1 $0xFFFFE000;
	s10 =	smov.u32 s16  }
.LBB1_1:
0x15: {  	p1 =	sge.u32 s11, s6  }
0x16: {  	p2 =	sgt.s32 @!p1 s10, $0x18620  }
0x17: {  	s14 =	smov.u32 s10;
	s16 =	smov.u32 s9;
	p2 =	por !p2, p1  }
0x18: {  	s15 =	sshra.s32 @!p1 s10, $0x1F;
	s14 =	simm.s32 @p2 $0x18620;
	p2 =	sgt.s32 @!p1 s9, $0x3  }
0x19: {  	s17 =	sshra.s32 @!p1 s9, $0x1F;
	s15 =	sand.u32 @!p1 s15, s10;
	p2 =	por !p2, p1  }
0x1a: {  	s14 =	ssub.s32 @!p1 s14, s15;
	s15 =	sand.u32 @!p1 s17, s9;
	s16 =	simm.s32 @p2 $0x3  }
0x1b: {  	s17 =	sshll.u32 @!p1 s9, $0x4;
	s14 =	sadd.s32 @!p1 $0xFFFE79E0, s14;
	s15 =	ssub.s32 @!p1 s16, s15  }
0x1c: {  	p2 =	sgt.s32 @!p1 s14, $0x7F;
	s14 =	sshll.u32 @!p1 s14, $0x6;
	s16 =	sadd.s32 @!p1 $0xFFFFFFFD, s15  }
0x1d: {  	s15 =	ssub.s32 @!p1 $0x4, s15;
	s14 =	ssub.s32 @!p1 $0x2000, s14;
	p3 =	sgt.s32 @!p1 s16, $0x0  }
0x1e: {  	p2 =	por !p2, p1;
	s16 =	sxor.u32 @!p1 $0xFFFFFFFF, s11;
	p3 =	por !p3, p1  }
0x1f: {  	s14 =	simm.s32 @!p2 $0x0;
	s16 =	sshll.u32 @!p1 s16, $0xD;
	s15 =	simm.s32 @!p3 $0x0  }
0x20: {  	s14 =	smul.u32 @!p1 s15, s14;
	s15 =	sand.u32 @!p1 $0x2000, s16;
	s16 =	sshll.u32 @!p1 s10, $0x6  }
0x21: {  	s18 =	simm.s32 @!p1 $0x200;
	s17 =	sand.u32 @!p1 $0x30, s17;
	s16 =	sadd.s32 @!p1 s5, s16  }
0x22: {  	s14 =	sand.u32 @!p1 $0x3FFFFFC0, s14;
	s16 =	sadd.s32 @!p1 s17, s16;
	s17 =	simm.s32 @!p1 $0x40  }
0x23: {  	[tilespmem:s15], [sflag:$0x1] =	stream.strided.gather @!p1 [hbm4b:s16+s17], s14, s18, s17, $0x38;
	[tilespmem:$0x8080] =	vst v63  }
0x24: {  	p1 =	seq.s32 s11, $0x0  }
0x25: {  	p2 =	sge.u32 @!p1 s11, s7  }
0x26: {  	p1 =	por p1, p2  }
.Ltmp2:
0x27: {  	_ = 	snop;
	(pc) =	sbr.rel @p1 .LBB1_5-.Ltmp2, $1  }
0x28: {  	_ =	sdelay $0x3  }
0x29: {  	p1 =	sgt.s32 s13, $0x18620;
	s14 =	smov.u32 s13  }
0x2a: {  	s15 =	sshra.s32 s13, $0x1F;
	s16 =	smov.u32 s12;
	s17 =	sshra.s32 s12, $0x1F  }
0x2b: {  	s14 =	simm.s32 @!p1 $0x18620;
	s15 =	sand.u32 s15, s13;
	p1 =	sgt.s32 s12, $0x3  }
0x2c: {  	s27 =	sand.u32 s17, s12;
	s14 =	ssub.s32 s14, s15;
	s16 =	simm.s32 @!p1 $0x3  }
0x2d: {  	s14 =	sadd.s32 $0xFFFE79E0, s14;
	s15 =	ssub.s32 s16, s27  }
0x2e: {  	p1 =	sgt.s32 s14, $0x7F;
	s16 =	sadd.s32 $0xFFFFFFFD, s15;
	s14 =	sshll.u32 s14, $0x6  }
0x2f: {  	s15 =	ssub.s32 $0x4, s15;
	p2 =	sgt.s32 s16, $0x0;
	s14 =	ssub.s32 $0x2000, s14  }
0x30: {  	s15 =	simm.s32 @p2 $0x0;
	s14 =	simm.s32 @p1 $0x0  }
0x31: {  	s14 =	smul.u32 s15, s14;
	_ =	sdelay $0x1  }
0x32: {  	s15 =	simm.s32 $0x1;
	s14 =	sand.u32 $0x3FFFFFC0, s14  }
0x33: {  	s15 =	simm.s32 @!p0 $0x0;
	_ =	swait.ge [sflag:s4], s14  }
0x34: {  	s28 =	sshll.u32 s15, $0xD;
	s14 =	ssub.s32 $0x0, s14;
	[sflag:s4] =	ssyncset.done $0x0  }
0x35: {  	s18 =	sor.u32 $0x20, s28;
	[sflag:s4] =	ssyncadd.s32 s14  }
0x36: {  	s29 =	smul.u32 $0x8100, s15;
	v3 =	vld [tilespmem:s18+$0x10]  }
0x37: {  	s30 =	sand.u32 $0x1, s11;
	v2 =	vld [tilespmem:s18+$0xFFFFFFF0]  }
0x38: {  	s15 =	smul.u32 $0x8100, s30;
	s14 =	sshrl.u32 s29, $0x2;
	v0 =	vld [tilespmem:s18+$0x0]  }
0x39: {  	s16 =	sor.u32 $0x4000, s14;
	v1 =	vld [tilespmem:s18+$0xFFFFFFE0]  }
0x3a: {  	s31 =	sshrl.u32 s15, $0x2;
	s15 =	sadd.s32 $0x0, s16  }
0x3b: {  	s17 =	simm.s32 $0x4;
	s14 =	sor.u32 $0x4000, s31;
	s18 =	sadd.s32 $0x40, s18;
	[tilespmem:s15+$0x1830 ss:$0x81] =	vst.msk $0xffff, v3  }
.LBB1_3:
0x3c: {  	v3 =	vld [tilespmem:s18+$0x10];
	p1 =	sne.s32 s17, $0x1FC;
	[tilespmem:s15+$0x810 ss:$0x81] =	vst.msk $0xffff, v2;
	s19 =	smov.u32 s17;
	s17 =	sadd.s32 $0x4, s17  }
.Ltmp3:
0x3d: {  	v2 =	vld [tilespmem:s18+$0xFFFFFFF0];
	[tilespmem:s15+$0x1020 ss:$0x81] =	vst.msk $0xffff, v0;
	(pc) =	sbr.rel @p1 .LBB1_3-.Ltmp3, $4  }
0x3e: {  	v0 =	vld [tilespmem:s18+$0x0];
	[tilespmem:s15+$0x0 ss:$0x81] =	vst.msk $0xffff, v1  }
0x3f: {  	s15 =	sshra.s32 s19, $0x2;
	v1 =	vld [tilespmem:s18+$0xFFFFFFE0]  }
0x40: {  	s15 =	sadd.s32 s15, s16  }
0x41: {  	s18 =	sadd.s32 $0x40, s18;
	[tilespmem:s15+$0x1830 ss:$0x81] =	vst.msk $0xffff, v3  }
0x42: {  	s16 =	sshll.u32 s13, $0x3  }
0x43: {  	s29 =	sand.u32 $0x7F, s13;
	s16 =	sand.u32 $0xFFFFFC00, s16  }
0x44: {  	s13 =	sor.u32 s29, s16;
	s16 =	smulhi.u32 $0xA79C7B17, s16  }
0x45: {  	s17 =	smulhi.u32 $0xA79C7B17, s13;
	_ =	sdelay $0x1  }
0x46: {  	s12 =	smul.u32 $0xC3800, s12;
	s16 =	sshrl.u32 s16, $0x10;
	s17 =	sshrl.u32 s17, $0x10  }
0x47: {  	s16 =	sand.u32 $0x3F, s16;
	s17 =	smul.u32 $0x18700, s17  }
0x48: {  	s16 =	smul.u32 $0x30E0, s16  }
.Ltmp4:
0x49: {  	s13 =	ssub.s32 s13, s17;
	(pc) =	sbr.rel .LBB1_5-.Ltmp4, $4  }
0x4a: {  	[tilespmem:s15+$0x810 ss:$0x81] =	vst.msk $0xffff, v2;
	s12 =	sadd.s32 s3, s12;
	s17 =	sand.u32 $0x7, s13  }
0x4b: {  	[tilespmem:s15+$0x1020 ss:$0x81] =	vst.msk $0xffff, v0;
	s12 =	sadd.s32 s16, s12;
	s13 =	sshrl.u32 s13, $0x3;
	s30 =	sshll.u32 s17, $0x12  }
0x4c: {  	[tilespmem:s15+$0x0 ss:$0x81] =	vst.msk $0xffff, v1;
	s12 =	sadd.s32 s13, s12;
	s31 =	sor.u32 $0x400, s30  }
0x4d: {  	[hbm4b:s12+s31] =	stream.strided.scatter [tilespmem:s14], [sflag:$0x2], $0x2000, s8, s31, $0x20;
	[tilespmem:$0x8080] =	vst v63  }
.LBB1_6:
0x4e: {  	_ =	sfence.sel $0x180000  }
0x4f: {  	s2 =	simm.s32 $0x1;
	[bflag:$0x0] =	sbarrier.arrive $0xFFFF  }
0x50: {  	s31 =	simm.s32 $0x2;
	[sflag:s2] =	ssyncpa.u1 $0x1  }
0x51: {  	[sflag:s31] =	ssyncpa.u1 $0x1  }
0x52: {  	p0 =	sne.s32 s0, $0x0;
	_ =	strace $0x90000047  }
0x53: {  	s0 =	sadd.s32 @!p0 $0x100000, s1;
	[bflag:$0x2] =	sbarrier.arrive $0xFFFF  }
0x54: {  	[sflag:s0] =	ssyncadd.tile.s32 @!p0 $0x1;
	_ =	shalt  }
.Lfunc_end1:
_tile_overlayer_lowered:
.L_overlay_start_2:
0x55: {  	(tag) =	ssettag $0x2  }
0x56: {  	s0 =	rddreg [dreg:$0x0];
	s2 =	stileid.u32  }
0x57: {  	s1 =	rddreg [dreg:$0x1];
	p0 =	sne.s32 s2, $0x0  }
0x58: {  	s3 =	rddreg [dreg:$0x2];
	[bflag:$0x3] =	sbarrier.arrive $0xFFFF;
	s2 =	simm.s32 @!p0 $0x1C01  }
0x59: {  	[timem:s3], [sflag:s2] =	dma.local @!p0 [hbm:s0], s1  }
0x5a: {  	s0 =	simm.s32 @!p0 $0x1  }
0x5b: {  	_ =	swait.ge @!p0 [sflag:s0], s1  }
0x5c: {  	s1 =	ssub.s32 @!p0 $0x0, s1;
	[sflag:s0] =	ssyncset.done @!p0 $0x0  }
0x5d: {  	[sflag:s0] =	ssyncadd.s32 @!p0 s1  }
0x5e: {  	[bflag:$0x3] =	sbarrier.arrive $0xFFFF  }
0x5f: {  	_ =	shalt  }

</sc_bundles>
